<compile_context>
chip_gen: v7x
topology: tpu7x:2x2x1
jax: 0.10.2.dev20260603
libtpu: 0.0.44.dev20260713+nightly
codegen_flags: <defaults>
</compile_context>

<pallas_src>
import functools

import jax
import jax.numpy as jnp
from jax import lax
from jax.experimental import pallas as pl
from jax.experimental.pallas import tpu as pltpu
from jax.experimental.pallas import tpu_sc as plsc

NC, NS, L = 2, 16, 16
NW = NC * NS


def _blend_body(nm_hbm, max_hbm, f_hbm, fd_hbm, nm_v, m_v, chunk, fd_v,
                *, nrows, nm_cols):
    rpw = nrows // NW
    wid = lax.axis_index("c") * NS + lax.axis_index("s")
    base = wid * rpw
    pltpu.sync_copy(nm_hbm, nm_v)
    pltpu.sync_copy(max_hbm, m_v)

    lane0 = jnp.zeros((L,), jnp.int32)
    u = plsc.load_gather(nm_v, [lane0]) * 3.0 + 2.0
    m_head = m_v[pl.ds(0, L)]
    m_tail = m_v[pl.ds(nm_cols - L, L)]
    m0 = m_head[0]
    mN = m_tail[L - 1]
    step = (mN - m0) * (1.0 / float(nm_cols - 1))
    jf = jnp.clip((u - m0) / step, 0.0, float(nm_cols - 2))
    j0 = jf.astype(jnp.int32)
    mlo = plsc.load_gather(m_v, [j0])
    mhi = plsc.load_gather(m_v, [j0 + 1])
    t = jnp.clip((u - mlo) / (mhi - mlo), 0.0, 1.0)

    pltpu.sync_copy(f_hbm.at[pl.ds(base, rpw)], chunk)

    iota = lax.iota(jnp.int32, L)

    def step_fn(g, _):
        r = iota + g * L
        lo = plsc.load_gather(chunk, [r, j0])
        hi = plsc.load_gather(chunk, [r, j0 + 1])
        fd_v[pl.ds(g * L, L)] = lo + t * (hi - lo)
        return 0

    lax.fori_loop(0, rpw // L, step_fn, 0)
    pltpu.sync_copy(fd_v, fd_hbm.at[pl.ds(base, rpw)])


def _norm_body(fd_ref, vx_ref, out_ref):
    tot = jnp.sum(fd_ref[...])
    vh = vx_ref[pl.ds(0, 2)]
    dv = vh[1] - vh[0]
    out_ref[...] = fd_ref[...] * (1.0 / (tot * dv))


def kernel(normed_m, m_ax, f_vx_m, vx):
    nrows, nm_cols = f_vx_m.shape
    rpw = nrows // NW
    nm1 = normed_m.astype(jnp.float32).reshape(1)
    mesh = plsc.VectorSubcoreMesh(core_axis_name="c", subcore_axis_name="s",
                                  num_cores=NC, num_subcores=NS)
    blend = pl.kernel(
        functools.partial(_blend_body, nrows=nrows, nm_cols=nm_cols),
        out_type=jax.ShapeDtypeStruct((nrows,), jnp.float32),
        mesh=mesh,
        scratch_types=[pltpu.VMEM((1,), jnp.float32),
                       pltpu.VMEM((nm_cols,), jnp.float32),
                       pltpu.VMEM((rpw, nm_cols), jnp.float32),
                       pltpu.VMEM((rpw,), jnp.float32)],
        compiler_params=pltpu.CompilerParams(needs_layout_passes=False),
    )
    fd = blend(nm1, m_ax, f_vx_m)

    norm = pl.pallas_call(
        _norm_body,
        out_shape=jax.ShapeDtypeStruct((nrows,), jnp.float32),
    )
    return norm(fd, vx)

# --- scband reference (transcript-rebuilt; emitter-appended) ---
"""Pipeline reference for scband-dlm1-v-6674379178655 (READ-ONLY COPY).

The authoritative reference and input builder live on the scoring server;
editing this copy changes nothing except your own understanding.
"""

import jax, jax.numpy as jnp
import numpy as np


def setup_inputs() -> dict:
    nvx = 16384
    vmax = 6.0
    dv = 2 * vmax / nvx
    vx = jnp.linspace(-vmax + dv / 2, vmax - dv / 2, nvx).astype(jnp.float32)
    m_ax = jnp.linspace(2.0, 5.0, 31).astype(jnp.float32)
    # Stand-in for the tabulated DLM distribution table loaded from the .mat file
    # (super-Gaussian exp(-|v|^m) which is exactly what the DLM table contains).
    vx_ax = jnp.linspace(-10.0, 10.0, 200001).astype(jnp.float32)
    projected = jnp.exp(-jnp.abs(vx_ax)[:, None] ** m_ax[None, :])  # [200001, 31]
    # Mirror the __init__ interpolation onto the nvx grid: vmap over the m axis
    f_vx_m = jax.vmap(jnp.interp, in_axes=(None, None, 1), out_axes=1)(vx, vx_ax, projected)  # [nvx, 31]
    # normed_m = (m_val - m_shift) / m_scale = (2.6 - 2.0) / 3.0 = 0.2 (identity inv activation)
    normed_m = jnp.asarray(0.2, dtype=jnp.float32)
    return {"normed_m": normed_m, "m_ax": m_ax, "f_vx_m": f_vx_m, "vx": vx}


def reference(normed_m, m_ax, f_vx_m, vx):
    m_scale = 3.0
    m_shift = 2.0
    # activate=False -> act_fun is identity
    unnormed_m = normed_m * m_scale + m_shift
    # interpolate_f_in_m = vmap(jnp.interp, in_axes=(None, None, 0), out_axes=0)
    fdlm = jax.vmap(jnp.interp, in_axes=(None, None, 0), out_axes=0)(unnormed_m, m_ax, f_vx_m)  # [nvx]
    return fdlm / jnp.sum(fdlm) / (vx[1] - vx[0])

if __name__ == "__main__":
    import jax
    _d = setup_inputs()
    print(jax.jit(kernel)(*tuple(_d.values())))

</pallas_src>

<mosaic_0001>
#map = affine_map<(d0, d1) -> (0)>
#map1 = affine_map<(d0, d1) -> (0, 0)>
module attributes {stable_mosaic.version = 14 : i64} {
  func.func @_blend_body(%arg0: i32, %arg1: i32, %arg2: memref<1xf32, #tpu.memory_space<hbm>>, %arg3: memref<31xf32, #tpu.memory_space<hbm>>, %arg4: memref<16384x31xf32, #tpu.memory_space<hbm>>, %arg5: memref<16384xf32, #tpu.memory_space<hbm>>, %arg6: memref<1xf32, #tpu.memory_space<vmem>>, %arg7: memref<31xf32, #tpu.memory_space<vmem>>, %arg8: memref<512x31xf32, #tpu.memory_space<vmem>>, %arg9: memref<512xf32, #tpu.memory_space<vmem>>) attributes {dimension_semantics = [#tpu.dimension_semantics<core_parallel>, #tpu.dimension_semantics<subcore_parallel>], iteration_bounds = array<i64: 2, 16>, scalar_prefetch = 0 : i64, scratch_operands = 4 : i64, tpu.core_type = #tpu.core_type<sc_vector_subcore>, window_params = [{transform_indices = #map}, {transform_indices = #map}, {transform_indices = #map1}, {transform_indices = #map}]} {
    %mul3A = arith.constant 16 : i32
    %mul3A_0 = arith.muli %arg0, %mul3A : i32
    %add3A = arith.addi %mul3A_0, %arg1 : i32
    %mul3A_1 = arith.constant 512 : i32
    %mul3A_2 = arith.muli %add3A, %mul3A_1 : i32
    "tpu.region"() ({
      %run_scoped3A = tpu.sem_alloc : memref<!tpu.dma_semaphore, #tpu.memory_space<semaphore_mem>>
      tpu.enqueue_dma source(%arg2 : memref<1xf32, #tpu.memory_space<hbm>>) target(%arg6 : memref<1xf32, #tpu.memory_space<vmem>>) target_semaphore(%run_scoped3A : memref<!tpu.dma_semaphore, #tpu.memory_space<semaphore_mem>>)
      tpu.wait_dma2 semaphore(%run_scoped3A : memref<!tpu.dma_semaphore, #tpu.memory_space<semaphore_mem>>) src(%arg2 : memref<1xf32, #tpu.memory_space<hbm>>) dst(%arg6 : memref<1xf32, #tpu.memory_space<vmem>>)
      tpu.yield
    }) : () -> ()
    "tpu.region"() ({
      %run_scoped3A = tpu.sem_alloc : memref<!tpu.dma_semaphore, #tpu.memory_space<semaphore_mem>>
      tpu.enqueue_dma source(%arg3 : memref<31xf32, #tpu.memory_space<hbm>>) target(%arg7 : memref<31xf32, #tpu.memory_space<vmem>>) target_semaphore(%run_scoped3A : memref<!tpu.dma_semaphore, #tpu.memory_space<semaphore_mem>>)
      tpu.wait_dma2 semaphore(%run_scoped3A : memref<!tpu.dma_semaphore, #tpu.memory_space<semaphore_mem>>) src(%arg3 : memref<31xf32, #tpu.memory_space<hbm>>) dst(%arg7 : memref<31xf32, #tpu.memory_space<vmem>>)
      tpu.yield
    }) : () -> ()
    %broadcast_in_dim3A = arith.constant 0 : i32
    %broadcast_in_dim3A_3 = vector.broadcast %broadcast_in_dim3A : i32 to vector<16xi32>
    %gather3A = tpu.vector_load_idx %arg6[%broadcast_in_dim3A_3] : memref<1xf32, #tpu.memory_space<vmem>>[vector<16xi32>], vector<16xf32>,
    %mul3A_4 = arith.constant 3.000000e+00 : f32
    %mul3A_5 = vector.broadcast %mul3A_4 : f32 to vector<16xf32>
    %mul3A_6 = arith.mulf %gather3A, %mul3A_5 : vector<16xf32>
    %add3A_7 = arith.constant 2.000000e+00 : f32
    %add3A_8 = vector.broadcast %add3A_7 : f32 to vector<16xf32>
    %add3A_9 = arith.addf %mul3A_6, %add3A_8 : vector<16xf32>
    %get3A = arith.constant 0 : index
    %get3A_10 = tpu.vector_load %arg7[%get3A] {strides = array<i32>} : memref<31xf32, #tpu.memory_space<vmem>>, vector<16xf32>,
    %get3A_11 = arith.constant 15 : index
    %get3A_12 = tpu.vector_load %arg7[%get3A_11] {strides = array<i32>} : memref<31xf32, #tpu.memory_space<vmem>>, vector<16xf32>,
    %slice3A = vector.extract_strided_slice %get3A_10 {offsets = [0], sizes = [1], strides = [1]} : vector<16xf32> to vector<1xf32>
    %squeeze3A = vector.extract %slice3A[0] : f32 from vector<1xf32>
    %slice3A_13 = vector.extract_strided_slice %get3A_12 {offsets = [15], sizes = [1], strides = [1]} : vector<16xf32> to vector<1xf32>
    %squeeze3A_14 = vector.extract %slice3A_13[0] : f32 from vector<1xf32>
    %sub3A = arith.subf %squeeze3A_14, %squeeze3A : f32
    %mul3A_15 = arith.constant 0.0333333351 : f32
    %mul3A_16 = arith.mulf %sub3A, %mul3A_15 : f32
    %sub3A_17 = vector.broadcast %squeeze3A : f32 to vector<16xf32>
    %sub3A_18 = arith.subf %add3A_9, %sub3A_17 : vector<16xf32>
    %div3A = vector.broadcast %mul3A_16 : f32 to vector<16xf32>
    %div3A_19 = arith.divf %sub3A_18, %div3A : vector<16xf32>
    %jit3A = arith.constant 0.000000e+00 : f32
    %jit3A_20 = arith.constant 2.900000e+01 : f32
    %max3A = vector.broadcast %jit3A : f32 to vector<16xf32>
    %max3A_21 = arith.maximumf %max3A, %div3A_19 : vector<16xf32>
    %min3A = vector.broadcast %jit3A_20 : f32 to vector<16xf32>
    %min3A_22 = arith.minimumf %min3A, %max3A_21 : vector<16xf32>
    %convert_element_type3A = arith.fptosi %min3A_22 : vector<16xf32> to vector<16xi32>
    %gather3A_23 = tpu.vector_load_idx %arg7[%convert_element_type3A] : memref<31xf32, #tpu.memory_space<vmem>>[vector<16xi32>], vector<16xf32>,
    %add3A_24 = arith.constant 1 : i32
    %add3A_25 = vector.broadcast %add3A_24 : i32 to vector<16xi32>
    %add3A_26 = arith.addi %convert_element_type3A, %add3A_25 : vector<16xi32>
    %gather3A_27 = tpu.vector_load_idx %arg7[%add3A_26] : memref<31xf32, #tpu.memory_space<vmem>>[vector<16xi32>], vector<16xf32>,
    %sub3A_28 = arith.subf %add3A_9, %gather3A_23 : vector<16xf32>
    %sub3A_29 = arith.subf %gather3A_27, %gather3A_23 : vector<16xf32>
    %div3A_30 = arith.divf %sub3A_28, %sub3A_29 : vector<16xf32>
    %jit3A_31 = arith.constant 0.000000e+00 : f32
    %jit3A_32 = arith.constant 1.000000e+00 : f32
    %max3A_33 = vector.broadcast %jit3A_31 : f32 to vector<16xf32>
    %max3A_34 = arith.maximumf %max3A_33, %div3A_30 : vector<16xf32>
    %min3A_35 = vector.broadcast %jit3A_32 : f32 to vector<16xf32>
    %min3A_36 = arith.minimumf %min3A_35, %max3A_34 : vector<16xf32>
    "tpu.region"() ({
      %run_scoped3A = tpu.sem_alloc : memref<!tpu.dma_semaphore, #tpu.memory_space<semaphore_mem>>
      %dma_start3A = arith.constant 0 : i32
      %dma_start3A_43 = tpu.memref_slice %arg4[%mul3A_2, %dma_start3A] : memref<16384x31xf32, #tpu.memory_space<hbm>> -> memref<512x31xf32, #tpu.memory_space<hbm>>
      %dma_start3A_44 = arith.constant 0 : i32
      %dma_start3A_45 = tpu.memref_slice %arg4[%mul3A_2, %dma_start3A_44] : memref<16384x31xf32, #tpu.memory_space<hbm>> -> memref<512x31xf32, #tpu.memory_space<hbm>>
      tpu.enqueue_dma source(%dma_start3A_45 : memref<512x31xf32, #tpu.memory_space<hbm>>) target(%arg8 : memref<512x31xf32, #tpu.memory_space<vmem>>) target_semaphore(%run_scoped3A : memref<!tpu.dma_semaphore, #tpu.memory_space<semaphore_mem>>)
      %dma_wait3A = arith.constant 0 : i32
      %dma_wait3A_46 = tpu.memref_slice %arg4[%mul3A_2, %dma_wait3A] : memref<16384x31xf32, #tpu.memory_space<hbm>> -> memref<512x31xf32, #tpu.memory_space<hbm>>
      %dma_wait3A_47 = arith.constant 0 : i32
      %dma_wait3A_48 = tpu.memref_slice %arg4[%mul3A_2, %dma_wait3A_47] : memref<16384x31xf32, #tpu.memory_space<hbm>> -> memref<512x31xf32, #tpu.memory_space<hbm>>
      tpu.wait_dma2 semaphore(%run_scoped3A : memref<!tpu.dma_semaphore, #tpu.memory_space<semaphore_mem>>) src(%dma_wait3A_48 : memref<512x31xf32, #tpu.memory_space<hbm>>) dst(%arg8 : memref<512x31xf32, #tpu.memory_space<vmem>>)
      tpu.yield
    }) : () -> ()
    %iota3A = tpu.iota {dimensions = array<i32: 0>} : vector<16xi32>
    %scan3A = arith.constant 0 : i32
    %scan3A_37 = arith.constant 0 : i32
    %scan3A_38 = arith.constant 32 : i32
    %scan3A_39 = arith.addi %scan3A_37, %scan3A_38 : i32
    %scan3A_40 = arith.constant 1 : i32
    %scan3A_41 = scf.for %scan3A_43 = %scan3A_37 to %scan3A_39 step %scan3A_40 iter_args(%scan3A_44 = %scan3A) -> (i32)  : i32 {
      %mul3A_45 = arith.constant 16 : i32
      %mul3A_46 = arith.muli %scan3A_43, %mul3A_45 : i32
      %add3A_47 = vector.broadcast %mul3A_46 : i32 to vector<16xi32>
      %add3A_48 = arith.addi %iota3A, %add3A_47 : vector<16xi32>
      %gather3A_49 = tpu.vector_load_idx %arg8[%add3A_48, %convert_element_type3A] : memref<512x31xf32, #tpu.memory_space<vmem>>[vector<16xi32>, vector<16xi32>], vector<16xf32>,
      %add3A_50 = arith.constant 1 : i32
      %add3A_51 = vector.broadcast %add3A_50 : i32 to vector<16xi32>
      %add3A_52 = arith.addi %convert_element_type3A, %add3A_51 : vector<16xi32>
      %gather3A_53 = tpu.vector_load_idx %arg8[%add3A_48, %add3A_52] : memref<512x31xf32, #tpu.memory_space<vmem>>[vector<16xi32>, vector<16xi32>], vector<16xf32>,
      %sub3A_54 = arith.subf %gather3A_53, %gather3A_49 : vector<16xf32>
      %mul3A_55 = arith.mulf %min3A_36, %sub3A_54 : vector<16xf32>
      %add3A_56 = arith.addf %gather3A_49, %mul3A_55 : vector<16xf32>
      %mul3A_57 = arith.constant 16 : i32
      %mul3A_58 = arith.muli %scan3A_43, %mul3A_57 : i32
      %swap3A = arith.index_cast %mul3A_58 : i32 to index
      %swap3A_59 = tpu.vector_load %arg9[%swap3A] {strides = array<i32>} : memref<512xf32, #tpu.memory_space<vmem>>, vector<16xf32>,
      tpu.vector_store %arg9[%swap3A], %add3A_56 {strides = array<i32>} : memref<512xf32, #tpu.memory_space<vmem>>, vector<16xf32>,
      %scan3A_60 = arith.constant 0 : i32
      scf.yield %scan3A_60 : i32
    }
    %scan3A_42 = arith.constant 32 : i32
    "tpu.region"() ({
      %run_scoped3A = tpu.sem_alloc : memref<!tpu.dma_semaphore, #tpu.memory_space<semaphore_mem>>
      %dma_start3A = tpu.memref_slice %arg5[%mul3A_2] : memref<16384xf32, #tpu.memory_space<hbm>> -> memref<512xf32, #tpu.memory_space<hbm>>
      %dma_start3A_43 = tpu.memref_slice %arg5[%mul3A_2] : memref<16384xf32, #tpu.memory_space<hbm>> -> memref<512xf32, #tpu.memory_space<hbm>>
      tpu.enqueue_dma source(%arg9 : memref<512xf32, #tpu.memory_space<vmem>>) target(%dma_start3A_43 : memref<512xf32, #tpu.memory_space<hbm>>) target_semaphore(%run_scoped3A : memref<!tpu.dma_semaphore, #tpu.memory_space<semaphore_mem>>)
      %dma_wait3A = tpu.memref_slice %arg5[%mul3A_2] : memref<16384xf32, #tpu.memory_space<hbm>> -> memref<512xf32, #tpu.memory_space<hbm>>
      %dma_wait3A_44 = tpu.memref_slice %arg5[%mul3A_2] : memref<16384xf32, #tpu.memory_space<hbm>> -> memref<512xf32, #tpu.memory_space<hbm>>
      tpu.wait_dma2 semaphore(%run_scoped3A : memref<!tpu.dma_semaphore, #tpu.memory_space<semaphore_mem>>) src(%arg9 : memref<512xf32, #tpu.memory_space<vmem>>) dst(%dma_wait3A_44 : memref<512xf32, #tpu.memory_space<hbm>>)
      tpu.yield
    }) : () -> ()
    return
  }
}

module attributes {stable_mosaic.version = 14 : i64} {
  func.func @_norm_body(%arg0: memref<16384xf32, #tpu.memory_space<vmem>>, %arg1: memref<16384xf32, #tpu.memory_space<vmem>>, %arg2: memref<16384xf32, #tpu.memory_space<vmem>>) attributes {dimension_semantics = [], scalar_prefetch = 0 : i64, scratch_operands = 0 : i64, tpu.core_type = #tpu.core_type<tc>} {
    %get3A = arith.constant 0 : index
    %get3A_0 = vector.load %arg0[%get3A] : memref<16384xf32, #tpu.memory_space<vmem>>, vector<16384xf32>
    %reduce_sum3A = vector.shape_cast %get3A_0 : vector<16384xf32> to vector<1x16384xf32>
    %reduce_sum3A_1 = arith.constant dense<0.000000e+00> : vector<1xf32>
    %reduce_sum3A_2 = vector.multi_reduction <add>, %reduce_sum3A, %reduce_sum3A_1 [1] : vector<1x16384xf32> to vector<1xf32>
    %reduce_sum3A_3 = vector.shape_cast %reduce_sum3A_2 : vector<1xf32> to vector<1x1xf32>
    %reduce_sum3A_4 = vector.extract %reduce_sum3A_3[0, 0] : f32 from vector<1x1xf32>
    %get3A_5 = arith.constant 0 : index
    %get3A_6 = vector.load %arg1[%get3A_5] : memref<16384xf32, #tpu.memory_space<vmem>>, vector<2xf32>
    %slice3A = vector.extract_strided_slice %get3A_6 {offsets = [1], sizes = [1], strides = [1]} : vector<2xf32> to vector<1xf32>
    %squeeze3A = vector.extract %slice3A[0] : f32 from vector<1xf32>
    %slice3A_7 = vector.extract_strided_slice %get3A_6 {offsets = [0], sizes = [1], strides = [1]} : vector<2xf32> to vector<1xf32>
    %squeeze3A_8 = vector.extract %slice3A_7[0] : f32 from vector<1xf32>
    %sub3A = arith.subf %squeeze3A, %squeeze3A_8 : f32
    %get3A_9 = arith.constant 0 : index
    %get3A_10 = vector.load %arg0[%get3A_9] : memref<16384xf32, #tpu.memory_space<vmem>>, vector<16384xf32>
    %mul3A = arith.mulf %reduce_sum3A_4, %sub3A : f32
    %div3A = arith.constant 1.000000e+00 : f32
    %div3A_11 = arith.divf %div3A, %mul3A : f32
    %mul3A_12 = vector.broadcast %div3A_11 : f32 to vector<16384xf32>
    %mul3A_13 = arith.mulf %get3A_10, %mul3A_12 : vector<16384xf32>
    %swap3A = arith.constant 0 : index
    %swap3A_14 = vector.load %arg2[%swap3A] : memref<16384xf32, #tpu.memory_space<vmem>>, vector<16384xf32>
    tpu.vector_store %arg2[%swap3A], %mul3A_13 {strides = array<i32>} : memref<16384xf32, #tpu.memory_space<vmem>>, vector<16384xf32>,
    return
  }
}

</mosaic_0001>

<sc_bundles>
// kernel: kernel.4.cloned.1.call-start
scs
__scs_entry_jumppad:
0x0: {  	(pc) =	sbr.rel $0x88, $3  }
0x1: {  	(tag) =	ssettag $0x0;
	lr =	simm.s32 $0x1  }
0x2: {  	[smem:$0x3F9D] =	sst lr;
	_ =	strace $0xD0000000  }
0x3: {  	_ = 	snop  }
0x4: {  	_ = 	snop  }
0x5: {  	_ = 	snop  }
0x6: {  	_ = 	snop  }
0x7: {  	_ = 	snop  }
__scs_overlays_trampoline_lowered:
0x8: {  	[smem:$0x3FAC] =	sst s0  }
0x9: {  	[smem:$0x3FAD] =	sst s1  }
0xa: {  	[smem:$0x3FAE] =	sst s2  }
0xb: {  	[smem:$0x3FAF] =	sst s3  }
0xc: {  	[smem:$0x3FB0] =	sst s4  }
0xd: {  	[smem:$0x3FB1] =	sst s5  }
0xe: {  	[smem:$0x3FB2] =	sst s6  }
0xf: {  	[smem:$0x3FB3] =	sst s7  }
0x10: {  	[smem:$0x3FB4] =	sst s8  }
0x11: {  	[smem:$0x3FB5] =	sst s9;
	s0 =	simm.s32 @!p0 $0x0  }
0x12: {  	s1 =	sld [smem:$0x3F9B];
	s0 =	simm.s32 @p0 $0x1  }
0x13: {  	[smem:$0x3FB6] =	sst s0;
	s0 =	simm.s32 @!p1 $0x0  }
0x14: {  	s2 =	sld [smem:$0x3F9A];
	s0 =	simm.s32 @p1 $0x1  }
0x15: {  	[smem:$0x3FB7] =	sst s0;
	s0 =	simm.s32 @!p2 $0x0  }
0x16: {  	s3 =	sld [smem:$0x3FDB];
	s0 =	simm.s32 @p2 $0x1  }
0x17: {  	s4 =	simm.s32 $0x1BF5;
	[smem:$0x3FB9] =	sst s0  }
0x18: {  	s0 =	sld [smem:$0x3F9C];
	_ =	swait.ge [sflag:s4], $0x0  }
0x19: {  	s7 =	sld [smem:$0x3F9D]  }
0x1a: {  	s8 =	sadd.s32 $0xFFFFE003, lr  }
0x1b: {  	s9 =	sadd.s32 $0xFFFFFEF7, lr;
	s5 =	simm.s32 $0xFFFFFFFF;
	p2 =	slt.u32 s8, $0xFFFFF086  }
0x1c: {  	p1 =	slt.u32 s9, $0xF7A;
	s5 =	simm.s32 @!p2 $0x0  }
0x1d: {  	s5 =	simm.s32 @p1 $0x1;
	p0 =	seq.s32 s7, s2  }
0x1e: {  	s7 =	smul.u32 @!p0 $0xF7A, s2;
	p2 =	seq.s32 @!p0 s5, $0x0  }
0x1f: {  	s9 =	smul.u32 $0xF7A, s1;
	s8 =	simm.s32 @!p0 $0x1BF5;
	p2 =	por !p2, p0  }
0x20: {  	[sflag:s8] =	ssyncset.s32 @!p0 $0xFFFFF086;
	s6 =	sadd.s32 @!p0 s3, s7;
	s7 =	simm.s32 @!p0 $0x108  }
0x21: {  	s3 =	sadd.s32 s3, s9;
	s6 =	sadd.s32 @!p0 $0x88, s6;
	s7 =	simm.s32 @p2 $0x1082  }
0x22: {  	[simem:s7], [sflag:s8] =	dma.local @!p0 [hbm:s6], $0xF7A  }
0x23: {  	s9 =	sor.u32 $0xD0000000, s2;
	s6 =	simm.s32 $0x108;
	_ =	swait.ge @!p0 [sflag:s8], $0x0  }
0x24: {  	s3 =	sadd.s32 $0x88, s3;
	s6 =	simm.s32 @!p1 $0x1082;
	[sflag:s4] =	ssyncset.s32 $0xFFFFF086  }
0x25: {  	[simem:s6], [sflag:s4] =	dma.local [hbm:s3], $0xF7A  }
0x26: {  	[smem:$0x3F9D] =	sst s1;
	(tag) =	ssettag s2;
	_ =	strace s9  }
0x27: {  	s1 =	sld [smem:$0x3FAD]  }
0x28: {  	s2 =	sld [smem:$0x3FAE]  }
0x29: {  	s4 =	sld [smem:$0x3FB0]  }
0x2a: {  	p0 =	seq.s32 s5, $0x0;
	s5 =	sld [smem:$0x3FB1]  }
0x2b: {  	s6 =	sld [smem:$0x3FB2]  }
0x2c: {  	s7 =	sld [smem:$0x3FB3]  }
0x2d: {  	s3 =	simm.s32 $0x108;
	s8 =	sld [smem:$0x3FB4]  }
0x2e: {  	s3 =	simm.s32 @!p0 $0x1082;
	s9 =	sld [smem:$0x3FB5]  }
0x2f: {  	lr =	sadd.s32 s0, s3;
	s0 =	sld [smem:$0x3FAC]  }
0x30: {  	s3 =	sld [smem:$0x3FAF]  }
0x31: {  	[smem:$0x3FB8] =	sst s10  }
0x32: {  	s10 =	sld [smem:$0x3FB6];
	_ =	sdelay $0x3  }
0x33: {  	p0 =	seq.s32 s10, $0x1;
	s10 =	sld [smem:$0x3FB8];
	_ =	sdelay $0x3  }
0x34: {  	[smem:$0x3FB8] =	sst s10  }
0x35: {  	s10 =	sld [smem:$0x3FB7];
	_ =	sdelay $0x3  }
0x36: {  	p1 =	seq.s32 s10, $0x1;
	s10 =	sld [smem:$0x3FB8];
	_ =	sdelay $0x3  }
0x37: {  	[smem:$0x3FB8] =	sst s10  }
0x38: {  	s10 =	sld [smem:$0x3FB9]  }
0x39: {  	_ = 	snop;
	(pc) =	sbr.ind lr, $3  }
0x3a: {  	_ = 	snop  }
0x3b: {  	_ = 	snop  }
0x3c: {  	p2 =	seq.s32 s10, $0x1;
	s10 =	sld [smem:$0x3FB8]  }
0x3d: {  	_ =	shalt  }
0x3e: {  	_ =	shalt  }
0x3f: {  	_ =	shalt  }
0x40: {  	_ =	shalt  }
0x41: {  	_ =	shalt  }
0x42: {  	_ =	shalt  }
0x43: {  	_ =	shalt  }
0x44: {  	_ =	shalt  }
0x45: {  	_ =	shalt  }
0x46: {  	_ =	shalt  }
0x47: {  	_ =	shalt  }
0x48: {  	_ =	shalt  }
0x49: {  	_ =	shalt  }
0x4a: {  	_ =	shalt  }
0x4b: {  	_ =	shalt  }
0x4c: {  	_ =	shalt  }
0x4d: {  	_ =	shalt  }
0x4e: {  	_ =	shalt  }
0x4f: {  	_ =	shalt  }
0x50: {  	_ =	shalt  }
0x51: {  	_ =	shalt  }
0x52: {  	_ =	shalt  }
0x53: {  	_ =	shalt  }
0x54: {  	_ =	shalt  }
0x55: {  	_ =	shalt  }
0x56: {  	_ =	shalt  }
0x57: {  	_ =	shalt  }
0x58: {  	_ =	shalt  }
0x59: {  	_ =	shalt  }
0x5a: {  	_ =	shalt  }
0x5b: {  	_ =	shalt  }
0x5c: {  	_ =	shalt  }
0x5d: {  	_ =	shalt  }
0x5e: {  	_ =	shalt  }
0x5f: {  	_ =	shalt  }
0x60: {  	_ =	shalt  }
0x61: {  	_ =	shalt  }
0x62: {  	_ =	shalt  }
0x63: {  	_ =	shalt  }
0x64: {  	_ =	shalt  }
0x65: {  	_ =	shalt  }
0x66: {  	_ =	shalt  }
0x67: {  	_ =	shalt  }
0x68: {  	_ =	shalt  }
0x69: {  	_ =	shalt  }
0x6a: {  	_ =	shalt  }
0x6b: {  	_ =	shalt  }
0x6c: {  	_ =	shalt  }
0x6d: {  	_ =	shalt  }
0x6e: {  	_ =	shalt  }
0x6f: {  	_ =	shalt  }
0x70: {  	_ =	shalt  }
0x71: {  	_ =	shalt  }
0x72: {  	_ =	shalt  }
0x73: {  	_ =	shalt  }
0x74: {  	_ =	shalt  }
0x75: {  	_ =	shalt  }
0x76: {  	_ =	shalt  }
0x77: {  	_ =	shalt  }
0x78: {  	_ =	shalt  }
0x79: {  	_ =	shalt  }
0x7a: {  	_ =	shalt  }
0x7b: {  	_ =	shalt  }
0x7c: {  	_ =	shalt  }
0x7d: {  	_ =	shalt  }
0x7e: {  	_ =	shalt  }
0x7f: {  	_ =	shalt  }
0x80: {  	_ =	shalt  }
0x81: {  	_ =	shalt  }
0x82: {  	_ =	shalt  }
0x83: {  	_ =	shalt  }
0x84: {  	_ =	shalt  }
0x85: {  	_ =	shalt  }
0x86: {  	_ =	shalt  }
0x87: {  	_ =	shalt  }
.Lfunc_end0:
.L_simem_size_0:
called_computation_lowered:
.L_overlay_start_0:
0x88: {  	s2 =	sld [smem:$0x3FD9]  }
0x89: {  	s3 =	sld [smem:$0x3FFE];
	_ =	sdelay $0x1  }
0x8a: {  	s1 =	srdreg.scid  }
0x8b: {  	s0 =	sand.u32 $0x1, s1  }
0x8c: {  	s17 =	sshll.u32 s0, $0xA;
	s2 =	sadd.s32 s3, s2  }
0x8d: {  	s2 =	sadd.s32 s2, s17  }
0x8e: {  	[smem:$0x3FC4] =	sst s2  }
0x8f: {  	_ = 	snop  }
0x90: {  	s2 =	sld [smem:$0x3FC9]  }
0x91: {  	s18 =	sld [smem:$0x3FC8]  }
0x92: {  	s4 =	sld [smem:$0x3FD0];
	(tm) =	ssettm $0x1  }
0x93: {  	s5 =	sld [smem:$0x3FFB];
	_ =	sdelay $0x3  }
0x94: {  	_ =	strace s5  }
0x95: {  	s5 =	sld [smem:$0x3FFC];
	_ =	sdelay $0x3  }
0x96: {  	_ =	strace s5  }
0x97: {  	s5 =	sld [smem:$0x3FFD];
	_ =	sdelay $0x3  }
0x98: {  	_ =	strace s5  }
0x99: {  	_ =	strace $0x8FFFFFFF  }
0x9a: {  	s19 =	sld [smem:$0x3FDB];
	_ =	sdelay $0x1  }
0x9b: {  	s6 =	simm.s32 $_scs_section_size  }
0x9c: {  	s7 =	simm.s32 $_size__tile_overlayer_lowered;
	s8 =	simm.s32 $_tile_overlayer_lowered  }
0x9d: {  	s22 =	simm.s32 $0x1BFF;
	s21 =	sshll.u32 s8, $0x1;
	s5 =	sadd.s32 s6, s19  }
0x9e: {  	s9 =	simm.s32 $0x0;
	s20 =	sshll.u32 s7, $0x1;
	s7 =	sadd.s32 s21, s5  }
0x9f: {  	[timem:s9], [sflag:s22] =	dma.local [hbm:s7], s20  }
0xa0: {  	_ =	swait.ge [sflag:s22], s20  }
0xa1: {  	s6 =	ssub.s32 $0x0, s20;
	[sflag:s22] =	ssyncset.done $0x0  }
0xa2: {  	[sflag:s22] =	ssyncadd.s32 s6;
	_ =	sdelay $0x1  }
0xa3: {  	s23 =	simm.s32 $0x1B8B  }
0xa4: {  	_ =	swait.ge [sflag:s23], $0x1  }
0xa5: {  	[sflag:s23] =	ssyncset.done $0x0  }
0xa6: {  	s25 =	simm.s32 $0x1B8E;
	s24 =	sld [smem:$0x3FFE];
	[sflag:s23] =	ssyncadd.s32 $0xFFFFFFFF  }
0xa7: {  	s26 =	simm.s32 $execute0_lowered;
	[smem:$0x3FD2] =	sst s25  }
0xa8: {  	s7 =	sshll.u32 s26, $0x1;
	_ =	strace $0x80000046;
	[dreg:$0x1] =	wrdreg $0xFFFFFFFF  }
0xa9: {  	s28 =	simm.s32 $_size_execute0_lowered;
	s5 =	sadd.s32 s5, s7;
	[dreg:$0x0] =	wrdreg $0x0  }
0xaa: {  	s7 =	sshll.u32 s28, $0x1;
	[dreg:$0x2] =	wrdreg s5  }
0xab: {  	[dreg:$0x3] =	wrdreg s7  }
0xac: {  	[dreg:$0x4] =	wrdreg $0xC0  }
0xad: {  	_ =	task [dreg:s9], $0x5FFFF  }
0xae: {  	[dreg:$0x1] =	wrdreg $0xFFFFFFFF  }
0xaf: {  	[dreg:$0x0] =	wrdreg $0x60  }
0xb0: {  	[dreg:$0x2] =	wrdreg s2  }
0xb1: {  	[dreg:$0x3] =	wrdreg s18  }
0xb2: {  	[dreg:$0x4] =	wrdreg s24  }
0xb3: {  	[dreg:$0x5] =	wrdreg s4  }
0xb4: {  	[dreg:$0x6] =	wrdreg $0x9  }
0xb5: {  	_ =	task.clear_ibuf [dreg:s9], $0x7FFFF;
	_ =	strace $0x90000046  }
0xb6: {  	s29 =	simm.s32 $0x9;
	_ =	strace $0x80000048  }
0xb7: {  	_ =	swait.ge [sflag:s29], $0x1  }
0xb8: {  	[sflag:s29] =	ssyncadd.s32 $0xFFFFFFFF  }
0xb9: {  	_ =	strace $0x90000048  }
0xba: {  	_ =	sfence  }
0xbb: {  	s30 =	sld [smem:$0x0];
	_ =	sdelay $0x2  }
0xbc: {  	s31 =	sshll.u32 s1, $0xD;
	s1 =	sshrl.u32 s1, $0x2  }
0xbd: {  	s3 =	sand.u32 $0x4000, s31;
	s1 =	sadd.s32 s1, s30  }
0xbe: {  	s0 =	sor.u32 s3, s0;
	s1 =	sshll.u32 s1, $0x11  }
0xbf: {  	s0 =	sor.u32 s1, s0  }
0xc0: {  	s0 =	sadd.s32 $0x8F2B, s0  }
0xc1: {  	[sflag:s0] =	ssyncadd.remote.s32 $0x1  }
0xc2: {  	_ =	sfence.sel $0xFFFF  }
0xc3: {  	[dreg:$0x0] =	wrdreg $0xFFFFFFFF;
	(pc) =	sbr.abs _section_cstart, $3  }
0xc4: {  	[dreg:$0x1] =	wrdreg $0xFFFFFFFF  }
0xc5: {  	_ =	task.clear_ibuf [dreg:s9], $0x2FFFF;
	_ =	strace $0x9FFFFFFF  }
0xc6: {  	(tm) =	ssettm $0x7FFFFFFF  }
0xc7: {  	_ =	shalt  }
tec
execute0_lowered:
.L_overlay_start_1:
0x0: {  	(tag) =	ssettag $0x1  }
0x1: {  	s1 =	rddreg [dreg:$0x0]  }
0x2: {  	s2 =	rddreg [dreg:$0x1]  }
0x3: {  	s5 =	rddreg [dreg:$0x2]  }
0x4: {  	s6 =	rddreg [dreg:$0x3];
	s4 =	srdreg.scid  }
0x5: {  	s0 =	rddreg [dreg:$0x4];
	s3 =	stileid.u32  }
0x6: {  	s10 =	simm.s32 $0x100;
	s11 =	simm.s32 $0x10100;
	s12 =	simm.s32 $0x0  }
0x7: {  	s7 =	sand.u32 $0x1, s4;
	s4 =	simm.s32 $0x0;
	s9 =	sshll.u32 s3, $0x9  }
0x8: {  	s8 =	sshll.u32 s7, $0xD;
	[smem:$0x7FF] =	sst s4;
	s7 =	ssub.s32 $0x2, s7  }
0x9: {  	s8 =	sor.u32 s9, s8;
	_ =	strace $0x80000047;
	s31 =	sshrl.u32 s7, $0x1  }
0xa: {  	v0 =	vlaneseq.u32;
	s9 =	sshll.u32 s8, $0x4;
	s8 =	sshrl.u32 s8, $0x3;
	s7 =	ssub.s32 s7, s31  }
0xb: {  	v0 =	vmul.u32 $0x80, v0;
	s5 =	sadd.s32 s9, s5;
	s6 =	sadd.s32 s6, s8;
	s7 =	smax.u32 s7, $0x1  }
0xc: {  	s8 =	simm.s32 $0x1;
	s9 =	simm.s32 $0x80;
	s5 =	sadd.s32 $0x800, s5  }
.LBB2_1:
0xd: {  	[tilespmem:s4], [sflag:$0x1] =	stream.linear.gather [hbm4b:s1+s4], $0x80, $0x38;
	[tilespmem:$0x10300] =	vst v63  }
0xe: {  	_ =	swait.ge [sflag:s8], $0x80  }
0xf: {  	[sflag:s8] =	ssyncset.done $0x0  }
0x10: {  	[sflag:s8] =	ssyncadd.s32 $0xFFFFFF80  }
0x11: {  	[tilespmem:s9], [sflag:$0x1] =	stream.linear.gather [hbm4b:s2+s4], $0x80, $0x38;
	[tilespmem:$0x10300] =	vst v63  }
0x12: {  	_ =	swait.ge [sflag:s8], $0x80  }
0x13: {  	[sflag:s8] =	ssyncset.done $0x0  }
0x14: {  	[sflag:s8] =	ssyncadd.s32 $0xFFFFFF80  }
0x15: {  	v1 =	vld [tilespmem:$0x80]  }
0x16: {  	v2 =	vld [tilespmem:$0x8F];
	_ =	sdelay $0x3  }
0x17: {  	(v2sf) =	vpush v1, $0x0  }
0x18: {  	(v2sf) =	vpush v2, $0xF;
	_ =	sdelay $0xd  }
0x19: {  	s13 =	spop (v2sf)  }
0x1a: {  	s14 =	spop (v2sf)  }
0x1b: {  	s13 =	ssub.f32 s14, s13;
	_ =	sdelay $0x1  }
0x1c: {  	s13 =	smul.f32 $3.333333510e-02, s13;
	_ =	sdelay $0x1  }
0x1d: {  	v2 =	vld.msk [tilespmem:s4+$0x0], $0xffff;
	v3 =	vmov s13  }
0x1e: {  	(erf) = vrcp.f32 v3;
	_ =	sdelay $0x3  }
0x1f: {  	v2 =	vmul.f32 $3.000000000e+00, v2;
	_ =	sdelay $0x1  }
0x20: {  	v1 =	vbroadcast v1, $0x0;
	v3 =	vadd.f32 $2.000000000e+00, v2;
	_ =	sdelay $0x1  }
0x21: {  	v1 =	vsub.f32 v3, v1  }
0x22: {  	v2 =	vpop (erf)  }
0x23: {  	v1 =	vmul.f32 v2, v1;
	_ =	sdelay $0x1  }
0x24: {  	v1 =	vmax.f32 v1, $0.0e+00  }
0x25: {  	v1 =	vmin.f32 v1, $2.900000000e+01  }
0x26: {  	v1 =	vtrunc.f32 v1  }
0x27: {  	v1 =	vcvt.f32.s32 v1;
	_ =	sdelay $0x1  }
0x28: {  	v2 =	vadd.s32 $0x1, v1;
	_ =	sdelay $0x3  }
0x29: {  	v4 =	vld.idx.msk [tilespmem:v1+s9+$0x0], $0xffff  }
0x2a: {  	v5 =	vld.idx.msk [tilespmem:v2+s9+$0x0], $0xffff;
	_ =	sdelay $0x4  }
0x2b: {  	v5 =	vsub.f32 v5, v4;
	_ =	sdelay $0x1  }
0x2c: {  	(erf) = vrcp.f32 v5;
	_ =	sdelay $0x4  }
0x2d: {  	v5 =	vmov s4  }
0x2e: {  	v5 =	vshll.u32 v5, $0x7  }
0x2f: {  	v5 =	vor.u32 v0, v5  }
0x30: {  	v6 =	vadd.s32 v2, v5  }
0x31: {  	[tilespmem:s10], [sflag:$0x1] =	stream.linear.gather [hbm4b:s5+s4], $0x10000, $0x38;
	v5 =	vadd.s32 v1, v5;
	v7 =	vpop (erf);
	[tilespmem:$0x10300] =	vst v63  }
0x32: {  	_ =	swait.ge [sflag:s8], $0x10000  }
0x33: {  	[sflag:s8] =	ssyncset.done $0x0  }
0x34: {  	[sflag:s8] =	ssyncadd.s32 $0xFFFF0000  }
0x35: {  	v6 =	vld.idx.msk [tilespmem:v6+s10+$0x0], $0xffff  }
0x36: {  	v5 =	vld.idx.msk [tilespmem:v5+s10+$0x0], $0xffff  }
0x37: {  	v3 =	vsub.f32 v3, v4;
	_ =	sdelay $0x1  }
0x38: {  	s30 =	simm.s32 $0x10;
	v3 =	vmul.f32 v7, v3  }
0x39: {  	v4 =	vmov s30  }
0x3a: {  	v4 =	vshll.u32 v4, $0x7;
	v3 =	vmax.f32 v3, $0.0e+00;
	v6 =	vsub.f32 v6, v5  }
0x3b: {  	v4 =	vor.u32 v0, v4;
	v3 =	vmin.f32 v3, $1.000000000e+00  }
0x3c: {  	v7 =	vadd.s32 v2, v4;
	v6 =	vmul.f32 v6, v3  }
0x3d: {  	v4 =	vadd.s32 v1, v4  }
0x3e: {  	v5 =	vadd.f32 v6, v5;
	_ =	sdelay $0x1  }
0x3f: {  	[tilespmem:s11+$0x0] =	vst v5  }
0x40: {  	v5 =	vld.idx.msk [tilespmem:v7+s10+$0x0], $0xffff  }
0x41: {  	v4 =	vld.idx.msk [tilespmem:v4+s10+$0x0], $0xffff;
	_ =	sdelay $0x2  }
0x42: {  	s31 =	simm.s32 $0x20  }
0x43: {  	v6 =	vmov s31  }
0x44: {  	s14 =	simm.s32 $0x30;
	s13 =	simm.s32 $0x10100;
	v6 =	vshll.u32 v6, $0x7;
	v5 =	vsub.f32 v5, v4  }
.LBB2_2:
0x45: {  	p0 =	sne.s32 s14, $0x1F0;
	v6 =	vor.u32 v0, v6  }
0x46: {  	v7 =	vadd.s32 v2, v6;
	v5 =	vmul.f32 v5, v3  }
0x47: {  	v6 =	vadd.s32 v1, v6  }
0x48: {  	v4 =	vadd.f32 v5, v4  }
0x49: {  	s13 =	sadd.s32 $0x10, s13  }
0x4a: {  	[tilespmem:s13+$0x0] =	vst v4  }
0x4b: {  	v5 =	vld.idx.msk [tilespmem:v7+s10+$0x0], $0xffff  }
0x4c: {  	v4 =	vld.idx.msk [tilespmem:v6+s10+$0x0], $0xffff;
	_ =	sdelay $0x1  }
.Ltmp0:
0x4d: {  	(pc) =	sbr.rel @p0 .LBB2_2-.Ltmp0, $3  }
0x4e: {  	_ =	sdelay $0x1  }
0x4f: {  	v6 =	vmov s14  }
0x50: {  	s14 =	sadd.s32 $0x10, s14;
	v6 =	vshll.u32 v6, $0x7;
	v5 =	vsub.f32 v5, v4  }
0x51: {  	v6 =	vor.u32 v0, v6  }
0x52: {  	v2 =	vadd.s32 v2, v6;
	v5 =	vmul.f32 v5, v3  }
0x53: {  	v1 =	vadd.s32 v1, v6  }
0x54: {  	v4 =	vadd.f32 v5, v4  }
0x55: {  	s13 =	sadd.s32 $0x10, s13  }
0x56: {  	[tilespmem:s13+$0x0] =	vst v4  }
0x57: {  	v2 =	vld.idx.msk [tilespmem:v2+s10+$0x0], $0xffff  }
0x58: {  	v1 =	vld.idx.msk [tilespmem:v1+s10+$0x0], $0xffff;
	_ =	sdelay $0x4  }
0x59: {  	v2 =	vsub.f32 v2, v1;
	_ =	sdelay $0x1  }
0x5a: {  	v2 =	vmul.f32 v2, v3;
	_ =	sdelay $0x1  }
0x5b: {  	s12 =	sadd.s32 $0x1, s12;
	v1 =	vadd.f32 v2, v1  }
0x5c: {  	p0 =	sne.s32 s12, s7;
	s13 =	sadd.s32 $0x10, s13  }
.Ltmp1:
0x5d: {  	[tilespmem:s13+$0x0] =	vst v1;
	(pc) =	sbr.rel @p0 .LBB2_1-.Ltmp1, $4  }
0x5e: {  	[hbm4b:s6+s4] =	stream.linear.scatter [tilespmem:s11], [sflag:$0x1], $0x200, $0x38;
	[tilespmem:$0x10300] =	vst v63  }
0x5f: {  	_ =	swait.ge [sflag:s8], $0x200  }
0x60: {  	[sflag:s8] =	ssyncset.done $0x0  }
0x61: {  	[sflag:s8] =	ssyncadd.s32 $0xFFFFFE00  }
0x62: {  	_ =	sfence.sel $0x180000  }
0x63: {  	[bflag:$0x0] =	sbarrier.arrive $0xFFFF  }
0x64: {  	p0 =	sne.s32 s3, $0x0;
	_ =	strace $0x90000047  }
0x65: {  	s0 =	sadd.s32 @!p0 $0x100000, s0;
	[bflag:$0x2] =	sbarrier.arrive $0xFFFF  }
0x66: {  	[sflag:s0] =	ssyncadd.tile.s32 @!p0 $0x1;
	_ =	shalt  }
.Lfunc_end2:
_tile_overlayer_lowered:
.L_overlay_start_2:
0x67: {  	(tag) =	ssettag $0x2  }
0x68: {  	s0 =	rddreg [dreg:$0x0];
	s2 =	stileid.u32  }
0x69: {  	s1 =	rddreg [dreg:$0x1];
	p0 =	sne.s32 s2, $0x0  }
0x6a: {  	s3 =	rddreg [dreg:$0x2];
	[bflag:$0x3] =	sbarrier.arrive $0xFFFF;
	s2 =	simm.s32 @!p0 $0x1C01  }
0x6b: {  	[timem:s3], [sflag:s2] =	dma.local @!p0 [hbm:s0], s1  }
0x6c: {  	s0 =	simm.s32 @!p0 $0x1  }
0x6d: {  	_ =	swait.ge @!p0 [sflag:s0], s1  }
0x6e: {  	s1 =	ssub.s32 @!p0 $0x0, s1;
	[sflag:s0] =	ssyncset.done @!p0 $0x0  }
0x6f: {  	[sflag:s0] =	ssyncadd.s32 @!p0 s1  }
0x70: {  	[bflag:$0x3] =	sbarrier.arrive $0xFFFF  }
0x71: {  	_ =	shalt  }

</sc_bundles>
